<compile_context>
chip_gen: v7x
topology: tpu7x:2x2x1
jax: 0.10.2.dev20260603
libtpu: 0.0.44.dev20260713+nightly
codegen_flags: <defaults>
</compile_context>

<pallas_src>
import functools

import jax
import jax.numpy as jnp
from jax import lax
from jax.experimental import pallas as pl
from jax.experimental.pallas import tpu as pltpu
from jax.experimental.pallas import tpu_sc as plsc

_B, _C, _H, _W = 2, 64, 224, 224
_N = _H * _W
_E = 124768
_K = 4096
_NCHUNK = -(-_E // _K)
_EPAD = _K * _NCHUNK


def _grid_edges(height, width):
    row = jnp.arange(width, dtype=jnp.int32)[None, :]
    col = jnp.arange(height, dtype=jnp.int32)[:, None]
    raw = row + col * width
    mid = width // 2
    left, right = raw[:, :mid], raw[:, mid:]
    lrow = jnp.stack([left[:-1, :], left[1:, :]], 2)
    lcol = jnp.stack([left[:, :-1], left[:, 1:]], 2)
    rrow = jnp.stack([right[:-1, :], right[1:, :]], 2)
    rcol = jnp.stack([right[:, :-1], right[:, 1:]], 2)
    cross = jnp.stack([left, right], 2)
    return jnp.concatenate([
        lrow.reshape(-1, 2), lcol.reshape(-1, 2),
        rrow.reshape(-1, 2), rcol.reshape(-1, 2),
        cross.reshape(-1, 2)], 0)


def _cos(a, b, eps=1e-8):
    num = jnp.sum(a * b, axis=1)
    na = jnp.sqrt(jnp.sum(a * a, axis=1))
    nb = jnp.sqrt(jnp.sum(b * b, axis=1))
    return num / (jnp.maximum(na, eps) * jnp.maximum(nb, eps))


def _edge_weights(fm):
    batch, dim = fm.shape[0], fm.shape[1]
    half = fm.shape[3] // 2
    l = fm[:, :, :, :half]
    r = fm[:, :, :, half:]
    lrow = _cos(l[:, :, :-1, :].reshape(batch, dim, -1), l[:, :, 1:, :].reshape(batch, dim, -1))
    lcol = _cos(l[:, :, :, :-1].reshape(batch, dim, -1), l[:, :, :, 1:].reshape(batch, dim, -1))
    rrow = _cos(r[:, :, :-1, :].reshape(batch, dim, -1), r[:, :, 1:, :].reshape(batch, dim, -1))
    rcol = _cos(r[:, :, :, :-1].reshape(batch, dim, -1), r[:, :, :, 1:].reshape(batch, dim, -1))
    bi = _cos(l.reshape(batch, dim, -1), r.reshape(batch, dim, -1))
    return jnp.concatenate([lrow, lcol, rrow, rcol, bi], axis=1)


_HASH = 4096


def _mst_body(edges_hbm, out_hbm, parent, outbuf, chunk, ru_st, rv_st, w_st,
              hash_v):
    core = lax.axis_index("c")
    sub = lax.axis_index("s")

    @pl.when(sub == 0)
    def _():
        b = core

        lane0 = lax.iota(jnp.int32, 16) == 0

        def sload(ref, i):
            return plsc.load_gather(ref, [jnp.full((16,), i, jnp.int32)])[0]

        def sstore(ref, i, val):
            plsc.store_scatter(
                ref,
                [jnp.full((16,), i, jnp.int32)],
                jnp.full((16,), val, jnp.int32),
                mask=lane0,
            )

        neg1 = jnp.full((16,), -1, jnp.int32)

        def init_body(i, carry):
            parent[pl.ds(i * 16, 16)] = neg1
            return carry

        lax.fori_loop(0, _N // 16, init_body, jnp.int32(0))
        outbuf[pl.ds(_N - 16, 16)] = jnp.zeros((16,), jnp.int32)

        def chase(x):
            def cond(st):
                return st[1] >= 0

            def body(st):
                _, p = st
                return p, sload(parent, p)

            return lax.while_loop(cond, body, (x, sload(parent, x)))

        def group_body(gi, cnt):
            wv = chunk[pl.ds(gi * 16, 16)]
            uv = lax.shift_right_logical(wv, jnp.full((16,), 16, jnp.int32))
            vv = wv & jnp.full((16,), 0xFFFF, jnp.int32)

            def vcond(st):
                _, pu, _, pv = st
                return jnp.any(pu >= 0) | jnp.any(pv >= 0)

            def vbody(st):
                xu, pu, xv, pv = st
                mu = pu >= 0
                mv = pv >= 0
                nu = jnp.where(mu, pu, xu)
                nv = jnp.where(mv, pv, xv)
                pnu = plsc.load_gather(parent, [nu])
                pnv = plsc.load_gather(parent, [nv])
                plsc.store_scatter(parent, [xu], pnu, mask=mu & (pnu >= 0))
                plsc.store_scatter(parent, [xv], pnv, mask=mv & (pnv >= 0))
                return (nu, jnp.where(mu, pnu, pu), nv, jnp.where(mv, pnv, pv))

            ru0, _, rv0, _ = lax.while_loop(
                vcond, vbody,
                (uv, plsc.load_gather(parent, [uv]),
                 vv, plsc.load_gather(parent, [vv])))

            cand = ru0 != rv0
            csum = plsc.cumsum(cand.astype(jnp.int32))
            ncand = csum[15]
            dest = csum - 1

            lane = lax.iota(jnp.int32, 16)
            hu = ru0 & jnp.int32(_HASH - 1)
            hv = rv0 & jnp.int32(_HASH - 1)
            plsc.store_scatter(hash_v, [hu], lane, mask=cand)
            plsc.store_scatter(hash_v, [hv], lane + 16, mask=cand)
            tu = plsc.load_gather(hash_v, [hu])
            tv = plsc.load_gather(hash_v, [hv])
            fast = jnp.all(jnp.where(cand, (tu == lane) & (tv == lane + 16), True))

            def fast_path(c):
                su = plsc.load_gather(parent, [ru0])
                sv = plsc.load_gather(parent, [rv0])
                big = jnp.where(su <= sv, ru0, rv0)
                small = jnp.where(su <= sv, rv0, ru0)
                plsc.store_scatter(parent, [big], su + sv, mask=cand)
                plsc.store_scatter(parent, [small], big, mask=cand)
                plsc.store_scatter(outbuf, [dest + c], wv, mask=cand)
                return c + ncand

            def slow_path(c):
                plsc.store_scatter(ru_st, [dest], ru0, mask=cand)
                plsc.store_scatter(rv_st, [dest], rv0, mask=cand)
                plsc.store_scatter(w_st, [dest], wv, mask=cand)

                def fix_body(j, cc):
                    ru, su = chase(sload(ru_st, j))
                    rv, sv = chase(sload(rv_st, j))
                    merge = ru != rv

                    @pl.when(merge)
                    def _():
                        big = jnp.where(su <= sv, ru, rv)
                        small = jnp.where(su <= sv, rv, ru)
                        sstore(parent, big, su + sv)
                        sstore(parent, small, big)
                        sstore(outbuf, cc, sload(w_st, j))

                    return cc + merge.astype(jnp.int32)

                return lax.fori_loop(0, ncand, fix_body, c)

            return lax.cond(fast, fast_path, slow_path, cnt)

        def chunk_body(ci, cnt):
            def run(c):
                pltpu.sync_copy(edges_hbm.at[b, pl.ds(ci * _K, _K)], chunk)
                return lax.fori_loop(0, _K // 16, group_body, c)

            return lax.cond(cnt < _N - 1, run, lambda c: c, cnt)

        lax.fori_loop(0, _NCHUNK, chunk_body, jnp.int32(0))
        pltpu.sync_copy(outbuf, out_hbm.at[b])


_mst_sc = functools.partial(
    pl.kernel,
    mesh=plsc.VectorSubcoreMesh(core_axis_name="c", subcore_axis_name="s"),
    out_type=jax.ShapeDtypeStruct((_B, _N), jnp.int32),
    scratch_types=[
        pltpu.VMEM((_N,), jnp.int32),
        pltpu.VMEM((_N,), jnp.int32),
        pltpu.VMEM((_K,), jnp.int32),
        pltpu.VMEM((16,), jnp.int32),
        pltpu.VMEM((16,), jnp.int32),
        pltpu.VMEM((16,), jnp.int32),
        pltpu.VMEM((_HASH,), jnp.int32),
    ],
    compiler_params=pltpu.CompilerParams(needs_layout_passes=False),
)(_mst_body)


def kernel(guide_in):
    height, width = guide_in.shape[2], guide_in.shape[3]
    n = height * width
    index = _grid_edges(height, width)
    weight = _edge_weights(guide_in)
    wz = jnp.where(weight == 0, jnp.float32(0.0), weight)
    bits = lax.bitcast_convert_type(wz, jnp.uint32)
    neg = lax.shift_right_logical(bits, jnp.uint32(31)) == 1
    key = jnp.where(neg, ~bits, bits | jnp.uint32(0x80000000))
    packed = (index[:, 0] << 16) | index[:, 1]
    _, sorted_packed = lax.sort(
        (key, jnp.broadcast_to(packed, key.shape)), num_keys=1, is_stable=True)
    sorted_packed = jnp.pad(sorted_packed, ((0, 0), (0, _EPAD - _E)))
    mst_packed = _mst_sc(sorted_packed)
    u = lax.shift_right_logical(mst_packed, 16)
    v = mst_packed & jnp.int32(0xFFFF)
    return jnp.stack([u, v], axis=-1)[:, : n - 1]

# --- scband reference (transcript-rebuilt; emitter-appended) ---
"""Pipeline reference for scband-minimum-spanning3-dtree-28810640622323 (READ-ONLY COPY).

The authoritative reference and input builder live on the scoring server;
editing this copy changes nothing except your own understanding.
"""

import jax, jax.numpy as jnp
from jax import lax
import numpy as np

B, C, H, W = 2, 64, 224, 224


def setup_inputs(seed: int = 0) -> dict:
    key = jax.random.key(seed)
    guide_in = jax.random.normal(key, (B, C, H, W), dtype=jnp.float32)
    return {"guide_in": guide_in}


def _build_matrix_index(height, width):
    row = jnp.arange(width, dtype=jnp.int32)[None, :]
    col = jnp.arange(height, dtype=jnp.int32)[:, None]
    raw_index = row + col * width
    mid = width // 2
    left = raw_index[:, :mid]
    right = raw_index[:, mid:]
    left_row = jnp.stack([left[:-1, :], left[1:, :]], 2)
    left_col = jnp.stack([left[:, :-1], left[:, 1:]], 2)
    right_row = jnp.stack([right[:-1, :], right[1:, :]], 2)
    right_col = jnp.stack([right[:, :-1], right[:, 1:]], 2)
    cross_col = jnp.stack([left, right], 2)
    index = jnp.concatenate([
        left_row.reshape(-1, 2), left_col.reshape(-1, 2),
        right_row.reshape(-1, 2), right_col.reshape(-1, 2),
        cross_col.reshape(-1, 2)], 0)
    return index


def _cosine(a, b, eps=1e-8):
    num = jnp.sum(a * b, axis=1)
    na = jnp.sqrt(jnp.sum(a * a, axis=1))
    nb = jnp.sqrt(jnp.sum(b * b, axis=1))
    return num / (jnp.maximum(na, eps) * jnp.maximum(nb, eps))


def _build_feature_weight_cosine(fm):
    batch, dim = fm.shape[0], fm.shape[1]
    half_width = fm.shape[3] // 2
    l = fm[:, :, :, :half_width]
    r = fm[:, :, :, half_width:]
    lrow = _cosine(l[:, :, :-1, :].reshape(batch, dim, -1), l[:, :, 1:, :].reshape(batch, dim, -1))
    lcol = _cosine(l[:, :, :, :-1].reshape(batch, dim, -1), l[:, :, :, 1:].reshape(batch, dim, -1))
    rrow = _cosine(r[:, :, :-1, :].reshape(batch, dim, -1), r[:, :, 1:, :].reshape(batch, dim, -1))
    rcol = _cosine(r[:, :, :, :-1].reshape(batch, dim, -1), r[:, :, :, 1:].reshape(batch, dim, -1))
    bi = _cosine(l.reshape(batch, dim, -1), r.reshape(batch, dim, -1))
    return jnp.concatenate([lrow, lcol, rrow, rcol, bi], axis=1)


def _kruskal(index, weight, n):
    order = jnp.argsort(weight, stable=True)
    num_edges = index.shape[0]

    def find(parent, x):
        root = lax.while_loop(
            lambda r: parent[r] != r,
            lambda r: parent[r],
            x)

        def comp_cond(carry):
            y, p = carry
            return p[y] != root

        def comp_body(carry):
            y, p = carry
            nxt = p[y]
            p = p.at[y].set(root)
            return nxt, p

        _, parent = lax.while_loop(comp_cond, comp_body, (x, parent))
        return root, parent

    def body(i, carry):
        parent, out, cnt = carry
        e = order[i]
        u = index[e, 0]
        v = index[e, 1]
        ru, parent = find(parent, u)
        rv, parent = find(parent, v)
        merge = ru != rv
        parent = parent.at[ru].set(jnp.where(merge, rv, ru))
        edge = jnp.stack([u, v])
        out = out.at[cnt].set(jnp.where(merge, edge, out[cnt]))
        cnt = cnt + jnp.where(merge, jnp.int32(1), jnp.int32(0))
        return parent, out, cnt

    parent0 = jnp.arange(n, dtype=jnp.int32)
    out0 = jnp.zeros((n - 1, 2), dtype=jnp.int32)
    _, out, _ = lax.fori_loop(0, num_edges, body, (parent0, out0, jnp.int32(0)))
    return out


def reference(guide_in):
    height, width = guide_in.shape[2], guide_in.shape[3]
    n = height * width
    index = _build_matrix_index(height, width)
    weight = _build_feature_weight_cosine(guide_in)
    trees = [_kruskal(index, weight[b], n) for b in range(weight.shape[0])]
    return jnp.stack(trees, 0)

if __name__ == "__main__":
    import jax
    _d = setup_inputs()
    print(jax.jit(kernel)(*tuple(_d.values())))

</pallas_src>

<mosaic_0001>
#map = affine_map<(d0, d1) -> (0, 0)>
module attributes {stable_mosaic.version = 14 : i64} {
  func.func @_mst_body(%arg0: i32, %arg1: i32, %arg2: memref<2x126976xi32, #tpu.memory_space<hbm>>, %arg3: memref<2x50176xi32, #tpu.memory_space<hbm>>, %arg4: memref<50176xi32, #tpu.memory_space<vmem>>, %arg5: memref<50176xi32, #tpu.memory_space<vmem>>, %arg6: memref<4096xi32, #tpu.memory_space<vmem>>, %arg7: memref<16xi32, #tpu.memory_space<vmem>>, %arg8: memref<16xi32, #tpu.memory_space<vmem>>, %arg9: memref<16xi32, #tpu.memory_space<vmem>>, %arg10: memref<4096xi32, #tpu.memory_space<vmem>>) attributes {dimension_semantics = [#tpu.dimension_semantics<core_parallel>, #tpu.dimension_semantics<subcore_parallel>], iteration_bounds = array<i64: 2, 16>, scalar_prefetch = 0 : i64, scratch_operands = 7 : i64, tpu.core_type = #tpu.core_type<sc_vector_subcore>, window_params = [{transform_indices = #map}, {transform_indices = #map}]} {
    %eq3A = arith.constant 0 : i32
    %eq3A_0 = arith.cmpi eq, %arg1, %eq3A : i32
    %convert_element_type3A = arith.extui %eq3A_0 : i1 to i32
    %cond3A = arith.constant 0 : i32
    %cond3A_1 = arith.cmpi ne, %convert_element_type3A, %cond3A : i32
    scf.if %cond3A_1 {
      %iota3A = tpu.iota {dimensions = array<i32: 0>} : vector<16xi32>
      %eq3A_2 = arith.constant 0 : i32
      %eq3A_3 = vector.broadcast %eq3A_2 : i32 to vector<16xi32>
      %eq3A_4 = arith.cmpi eq, %iota3A, %eq3A_3 : vector<16xi32>
      %broadcast_in_dim3A = arith.constant -1 : i32
      %broadcast_in_dim3A_5 = vector.broadcast %broadcast_in_dim3A : i32 to vector<16xi32>
      %scan3A = arith.constant 0 : i32
      %scan3A_6 = arith.constant 0 : i32
      %scan3A_7 = arith.constant 3136 : i32
      %scan3A_8 = arith.addi %scan3A_6, %scan3A_7 : i32
      %scan3A_9 = arith.constant 1 : i32
      scf.for %scan3A_21 = %scan3A_6 to %scan3A_8 step %scan3A_9  : i32 {
        %mul3A = arith.constant 16 : i32
        %mul3A_22 = arith.muli %scan3A_21, %mul3A : i32
        %swap3A_23 = arith.index_cast %mul3A_22 : i32 to index
        %swap3A_24 = tpu.vector_load %arg4[%swap3A_23] {strides = array<i32>} : memref<50176xi32, #tpu.memory_space<vmem>>, vector<16xi32>,
        tpu.vector_store %arg4[%swap3A_23], %broadcast_in_dim3A_5 {strides = array<i32>} : memref<50176xi32, #tpu.memory_space<vmem>>, vector<16xi32>,
      }
      %scan3A_10 = arith.constant 3136 : i32
      %broadcast_in_dim3A_11 = arith.constant 0 : i32
      %broadcast_in_dim3A_12 = vector.broadcast %broadcast_in_dim3A_11 : i32 to vector<16xi32>
      %swap3A = arith.constant 50160 : index
      %swap3A_13 = tpu.vector_load %arg5[%swap3A] {strides = array<i32>} : memref<50176xi32, #tpu.memory_space<vmem>>, vector<16xi32>,
      tpu.vector_store %arg5[%swap3A], %broadcast_in_dim3A_12 {strides = array<i32>} : memref<50176xi32, #tpu.memory_space<vmem>>, vector<16xi32>,
      %scan3A_14 = arith.constant 0 : i32
      %scan3A_15 = arith.constant 0 : i32
      %scan3A_16 = arith.constant 31 : i32
      %scan3A_17 = arith.addi %scan3A_15, %scan3A_16 : i32
      %scan3A_18 = arith.constant 1 : i32
      %scan3A_19 = scf.for %scan3A_21 = %scan3A_15 to %scan3A_17 step %scan3A_18 iter_args(%scan3A_22 = %scan3A_14) -> (i32)  : i32 {
        %lt3A = arith.constant 50175 : i32
        %lt3A_23 = arith.cmpi slt, %scan3A_22, %lt3A : i32
        %convert_element_type3A_24 = arith.extui %lt3A_23 : i1 to i32
        %cond3A_25 = arith.constant 0 : i32
        %cond3A_26 = arith.cmpi ne, %convert_element_type3A_24, %cond3A_25 : i32
        %cond3A_27 = scf.if %cond3A_26 -> (i32) {
          %mul3A = arith.constant 4096 : i32
          %mul3A_28 = arith.muli %scan3A_21, %mul3A : i32
          "tpu.region"() ({
            %run_scoped3A = tpu.sem_alloc : memref<!tpu.dma_semaphore, #tpu.memory_space<semaphore_mem>>
            %dma_start3A = tpu.memref_slice %arg2[%arg0, %mul3A_28] : memref<2x126976xi32, #tpu.memory_space<hbm>> -> memref<1x4096xi32, #tpu.memory_space<hbm>>
            %dma_start3A_35 = tpu.memref_squeeze %dma_start3A : memref<1x4096xi32, #tpu.memory_space<hbm>> -> memref<4096xi32, #tpu.memory_space<hbm>>
            %dma_start3A_36 = tpu.memref_slice %arg2[%arg0, %mul3A_28] : memref<2x126976xi32, #tpu.memory_space<hbm>> -> memref<1x4096xi32, #tpu.memory_space<hbm>>
            %dma_start3A_37 = tpu.memref_squeeze %dma_start3A_36 : memref<1x4096xi32, #tpu.memory_space<hbm>> -> memref<4096xi32, #tpu.memory_space<hbm>>
            tpu.enqueue_dma source(%dma_start3A_37 : memref<4096xi32, #tpu.memory_space<hbm>>) target(%arg6 : memref<4096xi32, #tpu.memory_space<vmem>>) target_semaphore(%run_scoped3A : memref<!tpu.dma_semaphore, #tpu.memory_space<semaphore_mem>>)
            %dma_wait3A = tpu.memref_slice %arg2[%arg0, %mul3A_28] : memref<2x126976xi32, #tpu.memory_space<hbm>> -> memref<1x4096xi32, #tpu.memory_space<hbm>>
            %dma_wait3A_38 = tpu.memref_squeeze %dma_wait3A : memref<1x4096xi32, #tpu.memory_space<hbm>> -> memref<4096xi32, #tpu.memory_space<hbm>>
            %dma_wait3A_39 = tpu.memref_slice %arg2[%arg0, %mul3A_28] : memref<2x126976xi32, #tpu.memory_space<hbm>> -> memref<1x4096xi32, #tpu.memory_space<hbm>>
            %dma_wait3A_40 = tpu.memref_squeeze %dma_wait3A_39 : memref<1x4096xi32, #tpu.memory_space<hbm>> -> memref<4096xi32, #tpu.memory_space<hbm>>
            tpu.wait_dma2 semaphore(%run_scoped3A : memref<!tpu.dma_semaphore, #tpu.memory_space<semaphore_mem>>) src(%dma_wait3A_40 : memref<4096xi32, #tpu.memory_space<hbm>>) dst(%arg6 : memref<4096xi32, #tpu.memory_space<vmem>>)
            tpu.yield
          }) : () -> ()
          %scan3A_29 = arith.constant 0 : i32
          %scan3A_30 = arith.constant 256 : i32
          %scan3A_31 = arith.addi %scan3A_29, %scan3A_30 : i32
          %scan3A_32 = arith.constant 1 : i32
          %scan3A_33 = scf.for %scan3A_35 = %scan3A_29 to %scan3A_31 step %scan3A_32 iter_args(%scan3A_36 = %scan3A_22) -> (i32)  : i32 {
            %mul3A_37 = arith.constant 16 : i32
            %mul3A_38 = arith.muli %scan3A_35, %mul3A_37 : i32
            %get3A = arith.index_cast %mul3A_38 : i32 to index
            %get3A_39 = tpu.vector_load %arg6[%get3A] {strides = array<i32>} : memref<4096xi32, #tpu.memory_space<vmem>>, vector<16xi32>,
            %broadcast_in_dim3A_40 = arith.constant 16 : i32
            %broadcast_in_dim3A_41 = vector.broadcast %broadcast_in_dim3A_40 : i32 to vector<16xi32>
            %shift_right_logical3A = arith.shrui %get3A_39, %broadcast_in_dim3A_41 : vector<16xi32>
            %broadcast_in_dim3A_42 = arith.constant 65535 : i32
            %broadcast_in_dim3A_43 = vector.broadcast %broadcast_in_dim3A_42 : i32 to vector<16xi32>
            %and3A = arith.andi %get3A_39, %broadcast_in_dim3A_43 : vector<16xi32>
            %gather3A = tpu.vector_load_idx %arg4[%shift_right_logical3A] : memref<50176xi32, #tpu.memory_space<vmem>>[vector<16xi32>], vector<16xi32>,
            %gather3A_44 = tpu.vector_load_idx %arg4[%and3A] : memref<50176xi32, #tpu.memory_space<vmem>>[vector<16xi32>], vector<16xi32>,
            %while3A:4 = scf.while (%while3A_82 = %shift_right_logical3A, %while3A_83 = %gather3A, %while3A_84 = %and3A, %while3A_85 = %gather3A_44) : (vector<16xi32>, vector<16xi32>, vector<16xi32>, vector<16xi32>) -> (vector<16xi32>, vector<16xi32>, vector<16xi32>, vector<16xi32>) {
              %ge3A = arith.constant 0 : i32
              %ge3A_86 = vector.broadcast %ge3A : i32 to vector<16xi32>
              %ge3A_87 = arith.cmpi sge, %while3A_83, %ge3A_86 : vector<16xi32>
              %reduce_or3A = arith.constant 1.000000e+00 : f32
              %reduce_or3A_88 = arith.constant 0.000000e+00 : f32
              %reduce_or3A_89 = vector.broadcast %reduce_or3A : f32 to vector<16xf32>
              %reduce_or3A_90 = vector.broadcast %reduce_or3A_88 : f32 to vector<16xf32>
              %reduce_or3A_91 = arith.select %ge3A_87, %reduce_or3A_89, %reduce_or3A_90 : vector<16xi1>, vector<16xf32>
              %reduce_or3A_92 = arith.constant true
              %reduce_or3A_93 = vector.broadcast %reduce_or3A_92 : i1 to vector<16xi1>
              %reduce_or3A_94 = tpu.scan <max>, %reduce_or3A_91 masked %reduce_or3A_93 : vector<16xf32>, vector<16xi1> -> vector<16xf32>
              %reduce_or3A_95 = vector.extract %reduce_or3A_94[15] : f32 from vector<16xf32>
              %reduce_or3A_96 = arith.constant 0.000000e+00 : f32
              %reduce_or3A_97 = arith.cmpf ogt, %reduce_or3A_95, %reduce_or3A_96 : f32
              %ge3A_98 = arith.constant 0 : i32
              %ge3A_99 = vector.broadcast %ge3A_98 : i32 to vector<16xi32>
              %ge3A_100 = arith.cmpi sge, %while3A_85, %ge3A_99 : vector<16xi32>
              %reduce_or3A_101 = arith.constant 1.000000e+00 : f32
              %reduce_or3A_102 = arith.constant 0.000000e+00 : f32
              %reduce_or3A_103 = vector.broadcast %reduce_or3A_101 : f32 to vector<16xf32>
              %reduce_or3A_104 = vector.broadcast %reduce_or3A_102 : f32 to vector<16xf32>
              %reduce_or3A_105 = arith.select %ge3A_100, %reduce_or3A_103, %reduce_or3A_104 : vector<16xi1>, vector<16xf32>
              %reduce_or3A_106 = arith.constant true
              %reduce_or3A_107 = vector.broadcast %reduce_or3A_106 : i1 to vector<16xi1>
              %reduce_or3A_108 = tpu.scan <max>, %reduce_or3A_105 masked %reduce_or3A_107 : vector<16xf32>, vector<16xi1> -> vector<16xf32>
              %reduce_or3A_109 = vector.extract %reduce_or3A_108[15] : f32 from vector<16xf32>
              %reduce_or3A_110 = arith.constant 0.000000e+00 : f32
              %reduce_or3A_111 = arith.cmpf ogt, %reduce_or3A_109, %reduce_or3A_110 : f32
              %or3A = arith.ori %reduce_or3A_97, %reduce_or3A_111 : i1
              scf.condition(%or3A) %while3A_82, %while3A_83, %while3A_84, %while3A_85 : vector<16xi32>, vector<16xi32>, vector<16xi32>, vector<16xi32>
            } do {
            ^bb0(%while3A_82: vector<16xi32>, %while3A_83: vector<16xi32>, %while3A_84: vector<16xi32>, %while3A_85: vector<16xi32>):
              %ge3A = arith.constant 0 : i32
              %ge3A_86 = vector.broadcast %ge3A : i32 to vector<16xi32>
              %ge3A_87 = arith.cmpi sge, %while3A_83, %ge3A_86 : vector<16xi32>
              %ge3A_88 = arith.constant 0 : i32
              %ge3A_89 = vector.broadcast %ge3A_88 : i32 to vector<16xi32>
              %ge3A_90 = arith.cmpi sge, %while3A_85, %ge3A_89 : vector<16xi32>
              %select_n3A_91 = arith.select %ge3A_87, %while3A_83, %while3A_82 : vector<16xi1>, vector<16xi32>
              %select_n3A_92 = arith.select %ge3A_90, %while3A_85, %while3A_84 : vector<16xi1>, vector<16xi32>
              %gather3A_93 = tpu.vector_load_idx %arg4[%select_n3A_91] : memref<50176xi32, #tpu.memory_space<vmem>>[vector<16xi32>], vector<16xi32>,
              %gather3A_94 = tpu.vector_load_idx %arg4[%select_n3A_92] : memref<50176xi32, #tpu.memory_space<vmem>>[vector<16xi32>], vector<16xi32>,
              %ge3A_95 = arith.constant 0 : i32
              %ge3A_96 = vector.broadcast %ge3A_95 : i32 to vector<16xi32>
              %ge3A_97 = arith.cmpi sge, %gather3A_93, %ge3A_96 : vector<16xi32>
              %and3A_98 = arith.andi %ge3A_87, %ge3A_97 : vector<16xi1>
              tpu.vector_store_idx %arg4[%while3A_82], %gather3A_93 masked %and3A_98 : memref<50176xi32, #tpu.memory_space<vmem>>[vector<16xi32>], vector<16xi32>, vector<16xi1>
              %ge3A_99 = arith.constant 0 : i32
              %ge3A_100 = vector.broadcast %ge3A_99 : i32 to vector<16xi32>
              %ge3A_101 = arith.cmpi sge, %gather3A_94, %ge3A_100 : vector<16xi32>
              %and3A_102 = arith.andi %ge3A_90, %ge3A_101 : vector<16xi1>
              tpu.vector_store_idx %arg4[%while3A_84], %gather3A_94 masked %and3A_102 : memref<50176xi32, #tpu.memory_space<vmem>>[vector<16xi32>], vector<16xi32>, vector<16xi1>
              %select_n3A_103 = arith.select %ge3A_87, %gather3A_93, %while3A_83 : vector<16xi1>, vector<16xi32>
              %select_n3A_104 = arith.select %ge3A_90, %gather3A_94, %while3A_85 : vector<16xi1>, vector<16xi32>
              scf.yield %select_n3A_91, %select_n3A_103, %select_n3A_92, %select_n3A_104 : vector<16xi32>, vector<16xi32>, vector<16xi32>, vector<16xi32>
            }
            %ne3A = arith.cmpi ne, %while3A#0, %while3A#2 : vector<16xi32>
            %convert_element_type3A_45 = arith.extui %ne3A : vector<16xi1> to vector<16xi32>
            %broadcast_in_dim3A_46 = arith.constant true
            %broadcast_in_dim3A_47 = vector.broadcast %broadcast_in_dim3A_46 : i1 to vector<16xi1>
            %masked_cumsum3A = tpu.scan <sum>, %convert_element_type3A_45 masked %broadcast_in_dim3A_47 : vector<16xi32>, vector<16xi1> -> vector<16xi32>
            %slice3A = vector.extract_strided_slice %masked_cumsum3A {offsets = [15], sizes = [1], strides = [1]} : vector<16xi32> to vector<1xi32>
            %squeeze3A = vector.extract %slice3A[0] : i32 from vector<1xi32>
            %sub3A = arith.constant 1 : i32
            %sub3A_48 = vector.broadcast %sub3A : i32 to vector<16xi32>
            %sub3A_49 = arith.subi %masked_cumsum3A, %sub3A_48 : vector<16xi32>
            %iota3A_50 = tpu.iota {dimensions = array<i32: 0>} : vector<16xi32>
            %and3A_51 = arith.constant 4095 : i32
            %and3A_52 = vector.broadcast %and3A_51 : i32 to vector<16xi32>
            %and3A_53 = arith.andi %while3A#0, %and3A_52 : vector<16xi32>
            %and3A_54 = arith.constant 4095 : i32
            %and3A_55 = vector.broadcast %and3A_54 : i32 to vector<16xi32>
            %and3A_56 = arith.andi %while3A#2, %and3A_55 : vector<16xi32>
            tpu.vector_store_idx %arg10[%and3A_53], %iota3A_50 masked %ne3A : memref<4096xi32, #tpu.memory_space<vmem>>[vector<16xi32>], vector<16xi32>, vector<16xi1>
            %add3A = arith.constant 16 : i32
            %add3A_57 = vector.broadcast %add3A : i32 to vector<16xi32>
            %add3A_58 = arith.addi %iota3A_50, %add3A_57 : vector<16xi32>
            tpu.vector_store_idx %arg10[%and3A_56], %add3A_58 masked %ne3A : memref<4096xi32, #tpu.memory_space<vmem>>[vector<16xi32>], vector<16xi32>, vector<16xi1>
            %gather3A_59 = tpu.vector_load_idx %arg10[%and3A_53] : memref<4096xi32, #tpu.memory_space<vmem>>[vector<16xi32>], vector<16xi32>,
            %gather3A_60 = tpu.vector_load_idx %arg10[%and3A_56] : memref<4096xi32, #tpu.memory_space<vmem>>[vector<16xi32>], vector<16xi32>,
            %eq3A_61 = arith.cmpi eq, %gather3A_59, %iota3A_50 : vector<16xi32>
            %add3A_62 = arith.constant 16 : i32
            %add3A_63 = vector.broadcast %add3A_62 : i32 to vector<16xi32>
            %add3A_64 = arith.addi %iota3A_50, %add3A_63 : vector<16xi32>
            %eq3A_65 = arith.cmpi eq, %gather3A_60, %add3A_64 : vector<16xi32>
            %and3A_66 = arith.andi %eq3A_61, %eq3A_65 : vector<16xi1>
            %jit3A = arith.constant true
            %broadcast_in_dim3A_67 = vector.broadcast %jit3A : i1 to vector<16xi1>
            %select_n3A = arith.select %ne3A, %and3A_66, %broadcast_in_dim3A_67 : vector<16xi1>, vector<16xi1>
            %reduce_and3A = arith.constant 1.000000e+00 : f32
            %reduce_and3A_68 = arith.constant 0.000000e+00 : f32
            %reduce_and3A_69 = vector.broadcast %reduce_and3A : f32 to vector<16xf32>
            %reduce_and3A_70 = vector.broadcast %reduce_and3A_68 : f32 to vector<16xf32>
            %reduce_and3A_71 = arith.select %select_n3A, %reduce_and3A_69, %reduce_and3A_70 : vector<16xi1>, vector<16xf32>
            %reduce_and3A_72 = arith.constant true
            %reduce_and3A_73 = vector.broadcast %reduce_and3A_72 : i1 to vector<16xi1>
            %reduce_and3A_74 = tpu.scan <min>, %reduce_and3A_71 masked %reduce_and3A_73 : vector<16xf32>, vector<16xi1> -> vector<16xf32>
            %reduce_and3A_75 = vector.extract %reduce_and3A_74[15] : f32 from vector<16xf32>
            %reduce_and3A_76 = arith.constant 0.000000e+00 : f32
            %reduce_and3A_77 = arith.cmpf ogt, %reduce_and3A_75, %reduce_and3A_76 : f32
            %convert_element_type3A_78 = arith.extui %reduce_and3A_77 : i1 to i32
            %cond3A_79 = arith.constant 0 : i32
            %cond3A_80 = arith.cmpi ne, %convert_element_type3A_78, %cond3A_79 : i32
            %cond3A_81 = scf.if %cond3A_80 -> (i32) {
              %gather3A_82 = tpu.vector_load_idx %arg4[%while3A#0] : memref<50176xi32, #tpu.memory_space<vmem>>[vector<16xi32>], vector<16xi32>,
              %gather3A_83 = tpu.vector_load_idx %arg4[%while3A#2] : memref<50176xi32, #tpu.memory_space<vmem>>[vector<16xi32>], vector<16xi32>,
              %le3A = arith.cmpi sle, %gather3A_82, %gather3A_83 : vector<16xi32>
              %select_n3A_84 = arith.select %le3A, %while3A#0, %while3A#2 : vector<16xi1>, vector<16xi32>
              %le3A_85 = arith.cmpi sle, %gather3A_82, %gather3A_83 : vector<16xi32>
              %select_n3A_86 = arith.select %le3A_85, %while3A#2, %while3A#0 : vector<16xi1>, vector<16xi32>
              %add3A_87 = arith.addi %gather3A_82, %gather3A_83 : vector<16xi32>
              tpu.vector_store_idx %arg4[%select_n3A_84], %add3A_87 masked %ne3A : memref<50176xi32, #tpu.memory_space<vmem>>[vector<16xi32>], vector<16xi32>, vector<16xi1>
              tpu.vector_store_idx %arg4[%select_n3A_86], %select_n3A_84 masked %ne3A : memref<50176xi32, #tpu.memory_space<vmem>>[vector<16xi32>], vector<16xi32>, vector<16xi1>
              %add3A_88 = vector.broadcast %scan3A_36 : i32 to vector<16xi32>
              %add3A_89 = arith.addi %sub3A_49, %add3A_88 : vector<16xi32>
              tpu.vector_store_idx %arg5[%add3A_89], %get3A_39 masked %ne3A : memref<50176xi32, #tpu.memory_space<vmem>>[vector<16xi32>], vector<16xi32>, vector<16xi1>
              %add3A_90 = arith.addi %scan3A_36, %squeeze3A : i32
              scf.yield %add3A_90 : i32
            } else {
              tpu.vector_store_idx %arg7[%sub3A_49], %while3A#0 masked %ne3A : memref<16xi32, #tpu.memory_space<vmem>>[vector<16xi32>], vector<16xi32>, vector<16xi1>
              tpu.vector_store_idx %arg8[%sub3A_49], %while3A#2 masked %ne3A : memref<16xi32, #tpu.memory_space<vmem>>[vector<16xi32>], vector<16xi32>, vector<16xi1>
              tpu.vector_store_idx %arg9[%sub3A_49], %get3A_39 masked %ne3A : memref<16xi32, #tpu.memory_space<vmem>>[vector<16xi32>], vector<16xi32>, vector<16xi1>
              %while3A_82 = arith.constant 0 : i32
              %while3A_83 = arith.subi %squeeze3A, %while3A_82 : i32
              %while3A_84 = arith.addi %while3A_82, %while3A_83 : i32
              %while3A_85 = arith.constant 1 : i32
              %while3A_86 = arith.divsi %while3A_83, %while3A_85 : i32
              %while3A_87 = arith.muli %while3A_86, %while3A_85 : i32
              %while3A_88 = arith.addi %while3A_82, %while3A_87 : i32
              %while3A_89 = arith.constant 1 : i32
              %while3A_90 = scf.for %while3A_93 = %while3A_82 to %while3A_88 step %while3A_89 iter_args(%while3A_94 = %scan3A_36) -> (i32)  : i32 {
                %broadcast_in_dim3A_95 = vector.broadcast %while3A_93 : i32 to vector<16xi32>
                %gather3A_96 = tpu.vector_load_idx %arg7[%broadcast_in_dim3A_95] : memref<16xi32, #tpu.memory_space<vmem>>[vector<16xi32>], vector<16xi32>,
                %slice3A_97 = vector.extract_strided_slice %gather3A_96 {offsets = [0], sizes = [1], strides = [1]} : vector<16xi32> to vector<1xi32>
                %squeeze3A_98 = vector.extract %slice3A_97[0] : i32 from vector<1xi32>
                %broadcast_in_dim3A_99 = vector.broadcast %squeeze3A_98 : i32 to vector<16xi32>
                %gather3A_100 = tpu.vector_load_idx %arg4[%broadcast_in_dim3A_99] : memref<50176xi32, #tpu.memory_space<vmem>>[vector<16xi32>], vector<16xi32>,
                %slice3A_101 = vector.extract_strided_slice %gather3A_100 {offsets = [0], sizes = [1], strides = [1]} : vector<16xi32> to vector<1xi32>
                %squeeze3A_102 = vector.extract %slice3A_101[0] : i32 from vector<1xi32>
                %while3A_103:2 = scf.while (%while3A_119 = %squeeze3A_98, %while3A_120 = %squeeze3A_102) : (i32, i32) -> (i32, i32) {
                  %ge3A = arith.constant 0 : i32
                  %ge3A_121 = arith.cmpi sge, %while3A_120, %ge3A : i32
                  scf.condition(%ge3A_121) %while3A_119, %while3A_120 : i32, i32
                } do {
                ^bb0(%while3A_119: i32, %while3A_120: i32):
                  %broadcast_in_dim3A_121 = vector.broadcast %while3A_120 : i32 to vector<16xi32>
                  %gather3A_122 = tpu.vector_load_idx %arg4[%broadcast_in_dim3A_121] : memref<50176xi32, #tpu.memory_space<vmem>>[vector<16xi32>], vector<16xi32>,
                  %slice3A_123 = vector.extract_strided_slice %gather3A_122 {offsets = [0], sizes = [1], strides = [1]} : vector<16xi32> to vector<1xi32>
                  %squeeze3A_124 = vector.extract %slice3A_123[0] : i32 from vector<1xi32>
                  scf.yield %while3A_120, %squeeze3A_124 : i32, i32
                }
                %broadcast_in_dim3A_104 = vector.broadcast %while3A_93 : i32 to vector<16xi32>
                %gather3A_105 = tpu.vector_load_idx %arg8[%broadcast_in_dim3A_104] : memref<16xi32, #tpu.memory_space<vmem>>[vector<16xi32>], vector<16xi32>,
                %slice3A_106 = vector.extract_strided_slice %gather3A_105 {offsets = [0], sizes = [1], strides = [1]} : vector<16xi32> to vector<1xi32>
                %squeeze3A_107 = vector.extract %slice3A_106[0] : i32 from vector<1xi32>
                %broadcast_in_dim3A_108 = vector.broadcast %squeeze3A_107 : i32 to vector<16xi32>
                %gather3A_109 = tpu.vector_load_idx %arg4[%broadcast_in_dim3A_108] : memref<50176xi32, #tpu.memory_space<vmem>>[vector<16xi32>], vector<16xi32>,
                %slice3A_110 = vector.extract_strided_slice %gather3A_109 {offsets = [0], sizes = [1], strides = [1]} : vector<16xi32> to vector<1xi32>
                %squeeze3A_111 = vector.extract %slice3A_110[0] : i32 from vector<1xi32>
                %while3A_112:2 = scf.while (%while3A_119 = %squeeze3A_107, %while3A_120 = %squeeze3A_111) : (i32, i32) -> (i32, i32) {
                  %ge3A = arith.constant 0 : i32
                  %ge3A_121 = arith.cmpi sge, %while3A_120, %ge3A : i32
                  scf.condition(%ge3A_121) %while3A_119, %while3A_120 : i32, i32
                } do {
                ^bb0(%while3A_119: i32, %while3A_120: i32):
                  %broadcast_in_dim3A_121 = vector.broadcast %while3A_120 : i32 to vector<16xi32>
                  %gather3A_122 = tpu.vector_load_idx %arg4[%broadcast_in_dim3A_121] : memref<50176xi32, #tpu.memory_space<vmem>>[vector<16xi32>], vector<16xi32>,
                  %slice3A_123 = vector.extract_strided_slice %gather3A_122 {offsets = [0], sizes = [1], strides = [1]} : vector<16xi32> to vector<1xi32>
                  %squeeze3A_124 = vector.extract %slice3A_123[0] : i32 from vector<1xi32>
                  scf.yield %while3A_120, %squeeze3A_124 : i32, i32
                }
                %ne3A_113 = arith.cmpi ne, %while3A_103#0, %while3A_112#0 : i32
                %convert_element_type3A_114 = arith.extui %ne3A_113 : i1 to i32
                %cond3A_115 = arith.constant 0 : i32
                %cond3A_116 = arith.cmpi ne, %convert_element_type3A_114, %cond3A_115 : i32
                scf.if %cond3A_116 {
                  %le3A = arith.cmpi sle, %while3A_103#1, %while3A_112#1 : i32
                  %select_n3A_119 = arith.select %le3A, %while3A_103#0, %while3A_112#0 : i32
                  %le3A_120 = arith.cmpi sle, %while3A_103#1, %while3A_112#1 : i32
                  %select_n3A_121 = arith.select %le3A_120, %while3A_112#0, %while3A_103#0 : i32
                  %add3A_122 = arith.addi %while3A_103#1, %while3A_112#1 : i32
                  %broadcast_in_dim3A_123 = vector.broadcast %select_n3A_119 : i32 to vector<16xi32>
                  %broadcast_in_dim3A_124 = vector.broadcast %add3A_122 : i32 to vector<16xi32>
                  tpu.vector_store_idx %arg4[%broadcast_in_dim3A_123], %broadcast_in_dim3A_124 masked %eq3A_4 : memref<50176xi32, #tpu.memory_space<vmem>>[vector<16xi32>], vector<16xi32>, vector<16xi1>
                  %broadcast_in_dim3A_125 = vector.broadcast %select_n3A_121 : i32 to vector<16xi32>
                  %broadcast_in_dim3A_126 = vector.broadcast %select_n3A_119 : i32 to vector<16xi32>
                  tpu.vector_store_idx %arg4[%broadcast_in_dim3A_125], %broadcast_in_dim3A_126 masked %eq3A_4 : memref<50176xi32, #tpu.memory_space<vmem>>[vector<16xi32>], vector<16xi32>, vector<16xi1>
                  %broadcast_in_dim3A_127 = vector.broadcast %while3A_93 : i32 to vector<16xi32>
                  %gather3A_128 = tpu.vector_load_idx %arg9[%broadcast_in_dim3A_127] : memref<16xi32, #tpu.memory_space<vmem>>[vector<16xi32>], vector<16xi32>,
                  %slice3A_129 = vector.extract_strided_slice %gather3A_128 {offsets = [0], sizes = [1], strides = [1]} : vector<16xi32> to vector<1xi32>
                  %squeeze3A_130 = vector.extract %slice3A_129[0] : i32 from vector<1xi32>
                  %broadcast_in_dim3A_131 = vector.broadcast %while3A_94 : i32 to vector<16xi32>
                  %broadcast_in_dim3A_132 = vector.broadcast %squeeze3A_130 : i32 to vector<16xi32>
                  tpu.vector_store_idx %arg5[%broadcast_in_dim3A_131], %broadcast_in_dim3A_132 masked %eq3A_4 : memref<50176xi32, #tpu.memory_space<vmem>>[vector<16xi32>], vector<16xi32>, vector<16xi1>
                } else {
                }
                %convert_element_type3A_117 = arith.extui %ne3A_113 : i1 to i32
                %add3A_118 = arith.addi %while3A_94, %convert_element_type3A_117 : i32
                scf.yield %add3A_118 : i32
              }
              %while3A_91 = arith.constant 1 : i32
              %while3A_92 = scf.for %while3A_93 = %while3A_88 to %while3A_84 step %while3A_91 iter_args(%while3A_94 = %while3A_90) -> (i32)  : i32 {
                %broadcast_in_dim3A_95 = vector.broadcast %while3A_93 : i32 to vector<16xi32>
                %gather3A_96 = tpu.vector_load_idx %arg7[%broadcast_in_dim3A_95] : memref<16xi32, #tpu.memory_space<vmem>>[vector<16xi32>], vector<16xi32>,
                %slice3A_97 = vector.extract_strided_slice %gather3A_96 {offsets = [0], sizes = [1], strides = [1]} : vector<16xi32> to vector<1xi32>
                %squeeze3A_98 = vector.extract %slice3A_97[0] : i32 from vector<1xi32>
                %broadcast_in_dim3A_99 = vector.broadcast %squeeze3A_98 : i32 to vector<16xi32>
                %gather3A_100 = tpu.vector_load_idx %arg4[%broadcast_in_dim3A_99] : memref<50176xi32, #tpu.memory_space<vmem>>[vector<16xi32>], vector<16xi32>,
                %slice3A_101 = vector.extract_strided_slice %gather3A_100 {offsets = [0], sizes = [1], strides = [1]} : vector<16xi32> to vector<1xi32>
                %squeeze3A_102 = vector.extract %slice3A_101[0] : i32 from vector<1xi32>
                %while3A_103:2 = scf.while (%while3A_119 = %squeeze3A_98, %while3A_120 = %squeeze3A_102) : (i32, i32) -> (i32, i32) {
                  %ge3A = arith.constant 0 : i32
                  %ge3A_121 = arith.cmpi sge, %while3A_120, %ge3A : i32
                  scf.condition(%ge3A_121) %while3A_119, %while3A_120 : i32, i32
                } do {
                ^bb0(%while3A_119: i32, %while3A_120: i32):
                  %broadcast_in_dim3A_121 = vector.broadcast %while3A_120 : i32 to vector<16xi32>
                  %gather3A_122 = tpu.vector_load_idx %arg4[%broadcast_in_dim3A_121] : memref<50176xi32, #tpu.memory_space<vmem>>[vector<16xi32>], vector<16xi32>,
                  %slice3A_123 = vector.extract_strided_slice %gather3A_122 {offsets = [0], sizes = [1], strides = [1]} : vector<16xi32> to vector<1xi32>
                  %squeeze3A_124 = vector.extract %slice3A_123[0] : i32 from vector<1xi32>
                  scf.yield %while3A_120, %squeeze3A_124 : i32, i32
                }
                %broadcast_in_dim3A_104 = vector.broadcast %while3A_93 : i32 to vector<16xi32>
                %gather3A_105 = tpu.vector_load_idx %arg8[%broadcast_in_dim3A_104] : memref<16xi32, #tpu.memory_space<vmem>>[vector<16xi32>], vector<16xi32>,
                %slice3A_106 = vector.extract_strided_slice %gather3A_105 {offsets = [0], sizes = [1], strides = [1]} : vector<16xi32> to vector<1xi32>
                %squeeze3A_107 = vector.extract %slice3A_106[0] : i32 from vector<1xi32>
                %broadcast_in_dim3A_108 = vector.broadcast %squeeze3A_107 : i32 to vector<16xi32>
                %gather3A_109 = tpu.vector_load_idx %arg4[%broadcast_in_dim3A_108] : memref<50176xi32, #tpu.memory_space<vmem>>[vector<16xi32>], vector<16xi32>,
                %slice3A_110 = vector.extract_strided_slice %gather3A_109 {offsets = [0], sizes = [1], strides = [1]} : vector<16xi32> to vector<1xi32>
                %squeeze3A_111 = vector.extract %slice3A_110[0] : i32 from vector<1xi32>
                %while3A_112:2 = scf.while (%while3A_119 = %squeeze3A_107, %while3A_120 = %squeeze3A_111) : (i32, i32) -> (i32, i32) {
                  %ge3A = arith.constant 0 : i32
                  %ge3A_121 = arith.cmpi sge, %while3A_120, %ge3A : i32
                  scf.condition(%ge3A_121) %while3A_119, %while3A_120 : i32, i32
                } do {
                ^bb0(%while3A_119: i32, %while3A_120: i32):
                  %broadcast_in_dim3A_121 = vector.broadcast %while3A_120 : i32 to vector<16xi32>
                  %gather3A_122 = tpu.vector_load_idx %arg4[%broadcast_in_dim3A_121] : memref<50176xi32, #tpu.memory_space<vmem>>[vector<16xi32>], vector<16xi32>,
                  %slice3A_123 = vector.extract_strided_slice %gather3A_122 {offsets = [0], sizes = [1], strides = [1]} : vector<16xi32> to vector<1xi32>
                  %squeeze3A_124 = vector.extract %slice3A_123[0] : i32 from vector<1xi32>
                  scf.yield %while3A_120, %squeeze3A_124 : i32, i32
                }
                %ne3A_113 = arith.cmpi ne, %while3A_103#0, %while3A_112#0 : i32
                %convert_element_type3A_114 = arith.extui %ne3A_113 : i1 to i32
                %cond3A_115 = arith.constant 0 : i32
                %cond3A_116 = arith.cmpi ne, %convert_element_type3A_114, %cond3A_115 : i32
                scf.if %cond3A_116 {
                  %le3A = arith.cmpi sle, %while3A_103#1, %while3A_112#1 : i32
                  %select_n3A_119 = arith.select %le3A, %while3A_103#0, %while3A_112#0 : i32
                  %le3A_120 = arith.cmpi sle, %while3A_103#1, %while3A_112#1 : i32
                  %select_n3A_121 = arith.select %le3A_120, %while3A_112#0, %while3A_103#0 : i32
                  %add3A_122 = arith.addi %while3A_103#1, %while3A_112#1 : i32
                  %broadcast_in_dim3A_123 = vector.broadcast %select_n3A_119 : i32 to vector<16xi32>
                  %broadcast_in_dim3A_124 = vector.broadcast %add3A_122 : i32 to vector<16xi32>
                  tpu.vector_store_idx %arg4[%broadcast_in_dim3A_123], %broadcast_in_dim3A_124 masked %eq3A_4 : memref<50176xi32, #tpu.memory_space<vmem>>[vector<16xi32>], vector<16xi32>, vector<16xi1>
                  %broadcast_in_dim3A_125 = vector.broadcast %select_n3A_121 : i32 to vector<16xi32>
                  %broadcast_in_dim3A_126 = vector.broadcast %select_n3A_119 : i32 to vector<16xi32>
                  tpu.vector_store_idx %arg4[%broadcast_in_dim3A_125], %broadcast_in_dim3A_126 masked %eq3A_4 : memref<50176xi32, #tpu.memory_space<vmem>>[vector<16xi32>], vector<16xi32>, vector<16xi1>
                  %broadcast_in_dim3A_127 = vector.broadcast %while3A_93 : i32 to vector<16xi32>
                  %gather3A_128 = tpu.vector_load_idx %arg9[%broadcast_in_dim3A_127] : memref<16xi32, #tpu.memory_space<vmem>>[vector<16xi32>], vector<16xi32>,
                  %slice3A_129 = vector.extract_strided_slice %gather3A_128 {offsets = [0], sizes = [1], strides = [1]} : vector<16xi32> to vector<1xi32>
                  %squeeze3A_130 = vector.extract %slice3A_129[0] : i32 from vector<1xi32>
                  %broadcast_in_dim3A_131 = vector.broadcast %while3A_94 : i32 to vector<16xi32>
                  %broadcast_in_dim3A_132 = vector.broadcast %squeeze3A_130 : i32 to vector<16xi32>
                  tpu.vector_store_idx %arg5[%broadcast_in_dim3A_131], %broadcast_in_dim3A_132 masked %eq3A_4 : memref<50176xi32, #tpu.memory_space<vmem>>[vector<16xi32>], vector<16xi32>, vector<16xi1>
                } else {
                }
                %convert_element_type3A_117 = arith.extui %ne3A_113 : i1 to i32
                %add3A_118 = arith.addi %while3A_94, %convert_element_type3A_117 : i32
                scf.yield %add3A_118 : i32
              }
              scf.yield %while3A_92 : i32
            }
            scf.yield %cond3A_81 : i32
          }
          %scan3A_34 = arith.constant 256 : i32
          scf.yield %scan3A_33 : i32
        } else {
          scf.yield %scan3A_22 : i32
        }
        scf.yield %cond3A_27 : i32
      }
      %scan3A_20 = arith.constant 31 : i32
      "tpu.region"() ({
        %run_scoped3A = tpu.sem_alloc : memref<!tpu.dma_semaphore, #tpu.memory_space<semaphore_mem>>
        %dma_start3A = arith.constant 0 : i32
        %dma_start3A_21 = tpu.memref_slice %arg3[%arg0, %dma_start3A] : memref<2x50176xi32, #tpu.memory_space<hbm>> -> memref<1x50176xi32, #tpu.memory_space<hbm>>
        %dma_start3A_22 = tpu.memref_squeeze %dma_start3A_21 : memref<1x50176xi32, #tpu.memory_space<hbm>> -> memref<50176xi32, #tpu.memory_space<hbm>>
        %dma_start3A_23 = arith.constant 0 : i32
        %dma_start3A_24 = tpu.memref_slice %arg3[%arg0, %dma_start3A_23] : memref<2x50176xi32, #tpu.memory_space<hbm>> -> memref<1x50176xi32, #tpu.memory_space<hbm>>
        %dma_start3A_25 = tpu.memref_squeeze %dma_start3A_24 : memref<1x50176xi32, #tpu.memory_space<hbm>> -> memref<50176xi32, #tpu.memory_space<hbm>>
        tpu.enqueue_dma source(%arg5 : memref<50176xi32, #tpu.memory_space<vmem>>) target(%dma_start3A_25 : memref<50176xi32, #tpu.memory_space<hbm>>) target_semaphore(%run_scoped3A : memref<!tpu.dma_semaphore, #tpu.memory_space<semaphore_mem>>)
        %dma_wait3A = arith.constant 0 : i32
        %dma_wait3A_26 = tpu.memref_slice %arg3[%arg0, %dma_wait3A] : memref<2x50176xi32, #tpu.memory_space<hbm>> -> memref<1x50176xi32, #tpu.memory_space<hbm>>
        %dma_wait3A_27 = tpu.memref_squeeze %dma_wait3A_26 : memref<1x50176xi32, #tpu.memory_space<hbm>> -> memref<50176xi32, #tpu.memory_space<hbm>>
        %dma_wait3A_28 = arith.constant 0 : i32
        %dma_wait3A_29 = tpu.memref_slice %arg3[%arg0, %dma_wait3A_28] : memref<2x50176xi32, #tpu.memory_space<hbm>> -> memref<1x50176xi32, #tpu.memory_space<hbm>>
        %dma_wait3A_30 = tpu.memref_squeeze %dma_wait3A_29 : memref<1x50176xi32, #tpu.memory_space<hbm>> -> memref<50176xi32, #tpu.memory_space<hbm>>
        tpu.wait_dma2 semaphore(%run_scoped3A : memref<!tpu.dma_semaphore, #tpu.memory_space<semaphore_mem>>) src(%arg5 : memref<50176xi32, #tpu.memory_space<vmem>>) dst(%dma_wait3A_30 : memref<50176xi32, #tpu.memory_space<hbm>>)
        tpu.yield
      }) : () -> ()
    } else {
    }
    return
  }
}

</mosaic_0001>

<sc_bundles>
// kernel: kernel.3.cloned.1.call-start
scs
__scs_entry_jumppad:
0x0: {  	(pc) =	sbr.rel $0x88, $3  }
0x1: {  	(tag) =	ssettag $0x0;
	lr =	simm.s32 $0x1  }
0x2: {  	[smem:$0x3FA0] =	sst lr;
	_ =	strace $0xD0000000  }
0x3: {  	_ = 	snop  }
0x4: {  	_ = 	snop  }
0x5: {  	_ = 	snop  }
0x6: {  	_ = 	snop  }
0x7: {  	_ = 	snop  }
__scs_overlays_trampoline_lowered:
0x8: {  	[smem:$0x3FAF] =	sst s0  }
0x9: {  	[smem:$0x3FB0] =	sst s1  }
0xa: {  	[smem:$0x3FB1] =	sst s2  }
0xb: {  	[smem:$0x3FB2] =	sst s3  }
0xc: {  	[smem:$0x3FB3] =	sst s4  }
0xd: {  	[smem:$0x3FB4] =	sst s5  }
0xe: {  	[smem:$0x3FB5] =	sst s6  }
0xf: {  	[smem:$0x3FB6] =	sst s7  }
0x10: {  	[smem:$0x3FB7] =	sst s8  }
0x11: {  	[smem:$0x3FB8] =	sst s9;
	s0 =	simm.s32 @!p0 $0x0  }
0x12: {  	s1 =	sld [smem:$0x3F9E];
	s0 =	simm.s32 @p0 $0x1  }
0x13: {  	[smem:$0x3FB9] =	sst s0;
	s0 =	simm.s32 @!p1 $0x0  }
0x14: {  	s2 =	sld [smem:$0x3F9D];
	s0 =	simm.s32 @p1 $0x1  }
0x15: {  	[smem:$0x3FBA] =	sst s0;
	s0 =	simm.s32 @!p2 $0x0  }
0x16: {  	s3 =	sld [smem:$0x3FDB];
	s0 =	simm.s32 @p2 $0x1  }
0x17: {  	s4 =	simm.s32 $0x1BF5;
	[smem:$0x3FBC] =	sst s0  }
0x18: {  	s0 =	sld [smem:$0x3F9F];
	_ =	swait.ge [sflag:s4], $0x0  }
0x19: {  	s7 =	sld [smem:$0x3FA0]  }
0x1a: {  	s8 =	sadd.s32 $0xFFFFE003, lr  }
0x1b: {  	s9 =	sadd.s32 $0xFFFFFEF7, lr;
	s5 =	simm.s32 $0xFFFFFFFF;
	p2 =	slt.u32 s8, $0xFFFFF086  }
0x1c: {  	p1 =	slt.u32 s9, $0xF7A;
	s5 =	simm.s32 @!p2 $0x0  }
0x1d: {  	s5 =	simm.s32 @p1 $0x1;
	p0 =	seq.s32 s7, s2  }
0x1e: {  	s7 =	smul.u32 @!p0 $0xF7A, s2;
	p2 =	seq.s32 @!p0 s5, $0x0  }
0x1f: {  	s9 =	smul.u32 $0xF7A, s1;
	s8 =	simm.s32 @!p0 $0x1BF5;
	p2 =	por !p2, p0  }
0x20: {  	[sflag:s8] =	ssyncset.s32 @!p0 $0xFFFFF086;
	s6 =	sadd.s32 @!p0 s3, s7;
	s7 =	simm.s32 @!p0 $0x108  }
0x21: {  	s3 =	sadd.s32 s3, s9;
	s6 =	sadd.s32 @!p0 $0x88, s6;
	s7 =	simm.s32 @p2 $0x1082  }
0x22: {  	[simem:s7], [sflag:s8] =	dma.local @!p0 [hbm:s6], $0xF7A  }
0x23: {  	s9 =	sor.u32 $0xD0000000, s2;
	s6 =	simm.s32 $0x108;
	_ =	swait.ge @!p0 [sflag:s8], $0x0  }
0x24: {  	s3 =	sadd.s32 $0x88, s3;
	s6 =	simm.s32 @!p1 $0x1082;
	[sflag:s4] =	ssyncset.s32 $0xFFFFF086  }
0x25: {  	[simem:s6], [sflag:s4] =	dma.local [hbm:s3], $0xF7A  }
0x26: {  	[smem:$0x3FA0] =	sst s1;
	(tag) =	ssettag s2;
	_ =	strace s9  }
0x27: {  	s1 =	sld [smem:$0x3FB0]  }
0x28: {  	s2 =	sld [smem:$0x3FB1]  }
0x29: {  	s4 =	sld [smem:$0x3FB3]  }
0x2a: {  	p0 =	seq.s32 s5, $0x0;
	s5 =	sld [smem:$0x3FB4]  }
0x2b: {  	s6 =	sld [smem:$0x3FB5]  }
0x2c: {  	s7 =	sld [smem:$0x3FB6]  }
0x2d: {  	s3 =	simm.s32 $0x108;
	s8 =	sld [smem:$0x3FB7]  }
0x2e: {  	s3 =	simm.s32 @!p0 $0x1082;
	s9 =	sld [smem:$0x3FB8]  }
0x2f: {  	lr =	sadd.s32 s0, s3;
	s0 =	sld [smem:$0x3FAF]  }
0x30: {  	s3 =	sld [smem:$0x3FB2]  }
0x31: {  	[smem:$0x3FBB] =	sst s10  }
0x32: {  	s10 =	sld [smem:$0x3FB9];
	_ =	sdelay $0x3  }
0x33: {  	p0 =	seq.s32 s10, $0x1;
	s10 =	sld [smem:$0x3FBB];
	_ =	sdelay $0x3  }
0x34: {  	[smem:$0x3FBB] =	sst s10  }
0x35: {  	s10 =	sld [smem:$0x3FBA];
	_ =	sdelay $0x3  }
0x36: {  	p1 =	seq.s32 s10, $0x1;
	s10 =	sld [smem:$0x3FBB];
	_ =	sdelay $0x3  }
0x37: {  	[smem:$0x3FBB] =	sst s10  }
0x38: {  	s10 =	sld [smem:$0x3FBC]  }
0x39: {  	_ = 	snop;
	(pc) =	sbr.ind lr, $3  }
0x3a: {  	_ = 	snop  }
0x3b: {  	_ = 	snop  }
0x3c: {  	p2 =	seq.s32 s10, $0x1;
	s10 =	sld [smem:$0x3FBB]  }
0x3d: {  	_ =	shalt  }
0x3e: {  	_ =	shalt  }
0x3f: {  	_ =	shalt  }
0x40: {  	_ =	shalt  }
0x41: {  	_ =	shalt  }
0x42: {  	_ =	shalt  }
0x43: {  	_ =	shalt  }
0x44: {  	_ =	shalt  }
0x45: {  	_ =	shalt  }
0x46: {  	_ =	shalt  }
0x47: {  	_ =	shalt  }
0x48: {  	_ =	shalt  }
0x49: {  	_ =	shalt  }
0x4a: {  	_ =	shalt  }
0x4b: {  	_ =	shalt  }
0x4c: {  	_ =	shalt  }
0x4d: {  	_ =	shalt  }
0x4e: {  	_ =	shalt  }
0x4f: {  	_ =	shalt  }
0x50: {  	_ =	shalt  }
0x51: {  	_ =	shalt  }
0x52: {  	_ =	shalt  }
0x53: {  	_ =	shalt  }
0x54: {  	_ =	shalt  }
0x55: {  	_ =	shalt  }
0x56: {  	_ =	shalt  }
0x57: {  	_ =	shalt  }
0x58: {  	_ =	shalt  }
0x59: {  	_ =	shalt  }
0x5a: {  	_ =	shalt  }
0x5b: {  	_ =	shalt  }
0x5c: {  	_ =	shalt  }
0x5d: {  	_ =	shalt  }
0x5e: {  	_ =	shalt  }
0x5f: {  	_ =	shalt  }
0x60: {  	_ =	shalt  }
0x61: {  	_ =	shalt  }
0x62: {  	_ =	shalt  }
0x63: {  	_ =	shalt  }
0x64: {  	_ =	shalt  }
0x65: {  	_ =	shalt  }
0x66: {  	_ =	shalt  }
0x67: {  	_ =	shalt  }
0x68: {  	_ =	shalt  }
0x69: {  	_ =	shalt  }
0x6a: {  	_ =	shalt  }
0x6b: {  	_ =	shalt  }
0x6c: {  	_ =	shalt  }
0x6d: {  	_ =	shalt  }
0x6e: {  	_ =	shalt  }
0x6f: {  	_ =	shalt  }
0x70: {  	_ =	shalt  }
0x71: {  	_ =	shalt  }
0x72: {  	_ =	shalt  }
0x73: {  	_ =	shalt  }
0x74: {  	_ =	shalt  }
0x75: {  	_ =	shalt  }
0x76: {  	_ =	shalt  }
0x77: {  	_ =	shalt  }
0x78: {  	_ =	shalt  }
0x79: {  	_ =	shalt  }
0x7a: {  	_ =	shalt  }
0x7b: {  	_ =	shalt  }
0x7c: {  	_ =	shalt  }
0x7d: {  	_ =	shalt  }
0x7e: {  	_ =	shalt  }
0x7f: {  	_ =	shalt  }
0x80: {  	_ =	shalt  }
0x81: {  	_ =	shalt  }
0x82: {  	_ =	shalt  }
0x83: {  	_ =	shalt  }
0x84: {  	_ =	shalt  }
0x85: {  	_ =	shalt  }
0x86: {  	_ =	shalt  }
0x87: {  	_ =	shalt  }
.Lfunc_end0:
.L_simem_size_0:
called_computation_lowered:
.L_overlay_start_0:
0x88: {  	s2 =	sld [smem:$0x3FD9]  }
0x89: {  	s3 =	sld [smem:$0x3FFE];
	_ =	sdelay $0x1  }
0x8a: {  	s1 =	srdreg.scid  }
0x8b: {  	s0 =	sand.u32 $0x1, s1  }
0x8c: {  	s17 =	sshll.u32 s0, $0xA;
	s2 =	sadd.s32 s3, s2  }
0x8d: {  	s2 =	sadd.s32 s2, s17  }
0x8e: {  	[smem:$0x3FC7] =	sst s2  }
0x8f: {  	_ = 	snop  }
0x90: {  	s2 =	sld [smem:$0x3FD0];
	(tm) =	ssettm $0x1  }
0x91: {  	s18 =	sld [smem:$0x3FFB];
	_ =	sdelay $0x3  }
0x92: {  	_ =	strace s18  }
0x93: {  	s3 =	sld [smem:$0x3FFC];
	_ =	sdelay $0x3  }
0x94: {  	_ =	strace s3  }
0x95: {  	s3 =	sld [smem:$0x3FFD];
	_ =	sdelay $0x3  }
0x96: {  	_ =	strace s3  }
0x97: {  	_ =	strace $0x8FFFFFFF  }
0x98: {  	s19 =	sld [smem:$0x3FDB];
	_ =	sdelay $0x1  }
0x99: {  	s4 =	simm.s32 $_scs_section_size  }
0x9a: {  	s5 =	simm.s32 $_size__tile_overlayer_lowered;
	s6 =	simm.s32 $_tile_overlayer_lowered  }
0x9b: {  	s22 =	simm.s32 $0x1BFF;
	s21 =	sshll.u32 s6, $0x1;
	s3 =	sadd.s32 s4, s19  }
0x9c: {  	s7 =	simm.s32 $0x0;
	s20 =	sshll.u32 s5, $0x1;
	s5 =	sadd.s32 s21, s3  }
0x9d: {  	[timem:s7], [sflag:s22] =	dma.local [hbm:s5], s20  }
0x9e: {  	_ =	swait.ge [sflag:s22], s20  }
0x9f: {  	s4 =	ssub.s32 $0x0, s20;
	[sflag:s22] =	ssyncset.done $0x0  }
0xa0: {  	[sflag:s22] =	ssyncadd.s32 s4;
	_ =	sdelay $0x1  }
0xa1: {  	s23 =	simm.s32 $0x1B8B  }
0xa2: {  	_ =	swait.ge [sflag:s23], $0x1  }
0xa3: {  	[sflag:s23] =	ssyncset.done $0x0  }
0xa4: {  	s25 =	simm.s32 $0x1B8E;
	s24 =	sld [smem:$0x3FFE];
	[sflag:s23] =	ssyncadd.s32 $0xFFFFFFFF  }
0xa5: {  	s26 =	simm.s32 $execute0_lowered;
	[smem:$0x3FD2] =	sst s25  }
0xa6: {  	s5 =	sshll.u32 s26, $0x1;
	_ =	strace $0x80000046;
	[dreg:$0x1] =	wrdreg $0xFFFFFFFF  }
0xa7: {  	s28 =	simm.s32 $_size_execute0_lowered;
	s3 =	sadd.s32 s3, s5;
	[dreg:$0x0] =	wrdreg $0x0  }
0xa8: {  	s5 =	sshll.u32 s28, $0x1;
	[dreg:$0x2] =	wrdreg s3  }
0xa9: {  	[dreg:$0x3] =	wrdreg s5  }
0xaa: {  	[dreg:$0x4] =	wrdreg $0xC0  }
0xab: {  	_ =	task [dreg:s7], $0x5FFFF  }
0xac: {  	[dreg:$0x1] =	wrdreg $0xFFFFFFFF  }
0xad: {  	[dreg:$0x0] =	wrdreg $0x60  }
0xae: {  	[dreg:$0x2] =	wrdreg s24  }
0xaf: {  	[dreg:$0x3] =	wrdreg s2  }
0xb0: {  	[dreg:$0x4] =	wrdreg $0x9  }
0xb1: {  	_ =	task.clear_ibuf [dreg:s7], $0x5FFFF;
	_ =	strace $0x90000046  }
0xb2: {  	s29 =	simm.s32 $0x9;
	_ =	strace $0x80000048  }
0xb3: {  	_ =	swait.ge [sflag:s29], $0x1  }
0xb4: {  	[sflag:s29] =	ssyncadd.s32 $0xFFFFFFFF  }
0xb5: {  	_ =	strace $0x90000048  }
0xb6: {  	_ =	sfence  }
0xb7: {  	s30 =	sld [smem:$0x0];
	_ =	sdelay $0x2  }
0xb8: {  	s31 =	sshll.u32 s1, $0xD;
	s1 =	sshrl.u32 s1, $0x2  }
0xb9: {  	s3 =	sand.u32 $0x4000, s31;
	s1 =	sadd.s32 s1, s30  }
0xba: {  	s0 =	sor.u32 s3, s0;
	s1 =	sshll.u32 s1, $0x11  }
0xbb: {  	s0 =	sor.u32 s1, s0  }
0xbc: {  	s0 =	sadd.s32 $0x8F2B, s0  }
0xbd: {  	[sflag:s0] =	ssyncadd.remote.s32 $0x1  }
0xbe: {  	_ =	sfence.sel $0xFFFF  }
0xbf: {  	[dreg:$0x0] =	wrdreg $0xFFFFFFFF;
	(pc) =	sbr.abs _section_cstart, $3  }
0xc0: {  	[dreg:$0x1] =	wrdreg $0xFFFFFFFF  }
0xc1: {  	_ =	task.clear_ibuf [dreg:s7], $0x2FFFF;
	_ =	strace $0x9FFFFFFF  }
0xc2: {  	(tm) =	ssettm $0x7FFFFFFF  }
0xc3: {  	_ =	shalt  }
tec
execute0_lowered:
.L_overlay_start_1:
0x0: {  	(tag) =	ssettag $0x1  }
0x1: {  	s4 =	stileid.u32  }
0x2: {  	p0 =	sne.s32 s4, $0x0  }
.Ltmp0:
0x3: {  	_ = 	snop;
	(pc) =	sbr.rel @!p0 .LBB2_1-.Ltmp0, $4  }
0x4: {  	s2 =	rddreg [dreg:$0x0]  }
0x5: {  	s3 =	rddreg [dreg:$0x1];
	s1 =	simm.s32 $0x0  }
0x6: {  	[smem:$0x7FF] =	sst s1  }
0x7: {  	s0 =	rddreg [dreg:$0x2];
	_ =	strace $0x80000047  }
.LBB2_21:
0x8: {  	_ =	sfence.sel $0x180000  }
0x9: {  	[bflag:$0x0] =	sbarrier.arrive $0xFFFF  }
0xa: {  	_ =	strace $0x90000047  }
0xb: {  	s0 =	sadd.s32 @!p0 $0x100000, s0;
	[bflag:$0x2] =	sbarrier.arrive $0xFFFF  }
0xc: {  	[sflag:s0] =	ssyncadd.tile.s32 @!p0 $0x1;
	_ =	shalt  }
.LBB2_1:
0xd: {  	s4 =	srdreg.scid;
	s7 =	simm.s32 $0x18800  }
0xe: {  	s8 =	simm.s32 $0x1;
	s9 =	simm.s32 $0x19980;
	s10 =	simm.s32 $0xC400  }
.Ltmp1:
0xf: {  	s11 =	simm.s32 $0x19800;
	s4 =	sand.u32 $0x1, s4;
	(pc) =	sbr.rel .LBB2_2-.Ltmp1, $4  }
0x10: {  	s12 =	simm.s32 $0x19880;
	s13 =	simm.s32 $0x19900;
	s5 =	ssub.s32 $0x2, s4  }
0x11: {  	s14 =	simm.s32 $0x0;
	s4 =	sshll.u32 s4, $0x4;
	s6 =	sshrl.u32 s5, $0x1  }
0x12: {  	v0 =	vimm.s32 $0xFFFFFFFF;
	v1 =	vimm.s32 $0x0;
	v2 =	vlaneseq.u32;
	s2 =	sadd.s32 s2, s4;
	s3 =	sadd.s32 s3, s4;
	s5 =	ssub.s32 s5, s6  }
0x13: {  	v3 =	vimm.f32 $0.0e+00;
	v5 =	vimm.f32 $1.000000000e+00;
	v4 =	vor.u32 $0x10, v2;
	s6 =	simm.s32 $0x100;
	s4 =	smax.u32 s5, $0x1;
	s5 =	simm.s32 $0x80  }
.LBB2_20:
0x14: {  	s14 =	sadd.s32 $0x1, s14  }
0x15: {  	p1 =	sne.s32 s14, s4  }
.Ltmp2:
0x16: {  	_ = 	snop;
	(pc) =	sbr.rel @!p1 .LBB2_21-.Ltmp2, $4  }
0x17: {  	[hbm4b:s3+s5] =	stream.strided.scatter [tilespmem:s10], [sflag:$0x1], $0xC400, s6, s5, $0x38;
	[tilespmem:$0x1A980] =	vst v63  }
0x18: {  	_ =	swait.ge [sflag:s8], $0xC400  }
0x19: {  	[sflag:s8] =	ssyncset.done $0x0  }
0x1a: {  	[sflag:s8] =	ssyncadd.s32 $0xFFFF3C00  }
.LBB2_2:
0x1b: {  	s15 =	simm.s32 $0x40;
	s16 =	simm.s32 $0x0  }
.LBB2_3:
0x1c: {  	p1 =	sne.s32 s15, $0x30FC0;
	[tilespmem:s16+$0x0] =	vst v0;
	s16 =	smov.u32 s15;
	s15 =	sadd.s32 $0x40, s15  }
.Ltmp3:
0x1d: {  	(pc) =	sbr.rel @p1 .LBB2_3-.Ltmp3, $2  }
0x1e: {  	_ =	sdelay $0x2  }
0x1f: {  	s16 =	sshra.s32 s16, $0x2  }
.Ltmp4:
0x20: {  	(pc) =	sbr.rel .LBB2_5-.Ltmp4, $3  }
0x21: {  	_ =	sdelay $0x1  }
0x22: {  	[tilespmem:s16+$0x0] =	vst v0  }
0x23: {  	s15 =	simm.s32 $0x0;
	s16 =	simm.s32 $0x0;
	[tilespmem:$0x187F0] =	vst v1  }
.LBB2_19:
0x24: {  	s16 =	sadd.s32 $0x1, s16  }
0x25: {  	p1 =	sne.s32 s16, $0x1F  }
.Ltmp5:
0x26: {  	_ = 	snop;
	(pc) =	sbr.rel @!p1 .LBB2_20-.Ltmp5, $1  }
0x27: {  	_ =	sdelay $0x3  }
.LBB2_5:
0x28: {  	p1 =	sgt.s32 s15, $0xC3FE  }
.Ltmp6:
0x29: {  	_ = 	snop;
	(pc) =	sbr.rel @p1 .LBB2_19-.Ltmp6, $1  }
0x2a: {  	_ =	sdelay $0x3  }
0x2b: {  	s17 =	sshll.u32 s16, $0xA  }
.Ltmp7:
0x2c: {  	s17 =	sadd.s32 s17, s2;
	(pc) =	sbr.rel .LBB2_7-.Ltmp7, $4  }
0x2d: {  	[tilespmem:s7], [sflag:$0x1] =	stream.strided.gather [hbm4b:s17+s5], $0x1000, s6, s5, $0x38;
	[tilespmem:$0x1A980] =	vst v63  }
0x2e: {  	_ =	swait.ge [sflag:s8], $0x1000  }
0x2f: {  	[sflag:s8] =	ssyncset.done $0x0  }
0x30: {  	s17 =	simm.s32 $0x0;
	[sflag:s8] =	ssyncadd.s32 $0xFFFFF000  }
.LBB2_11:
0x31: {  	_ =	sdelay $0x3  }
0x32: {  	v10 =	vld.idx.msk [tilespmem:v7+s1+$0x0], $0xffff  }
0x33: {  	v11 =	vld.idx.msk [tilespmem:v8+s1+$0x0], $0xffff;
	_ =	sdelay $0x4  }
0x34: {  	vm1 =	vgt.s32 v10, v11  }
0x35: {  	v12 =	vsel vm1, v8, v7  }
0x36: {  	v7 =	vsel vm1, v7, v8  }
0x37: {  	v62 =	vadd.s32 s15, v9;
	_ =	sdelay $0x1  }
0x38: {  	v63 =	vadd.s32 v10, v11  }
0x39: {  	[tilespmem:v12+s1+$0x0] =	vst.idx.msk vm0, v63  }
0x3a: {  	[tilespmem:v7+s1+$0x0] =	vst.idx.msk vm0, v12  }
0x3b: {  	s15 =	sadd.s32 s15, s18;
	[tilespmem:v62+s10+$0x0] =	vst.idx.msk vm0, v6  }
.LBB2_18:
0x3c: {  	s17 =	sadd.s32 $0x1, s17  }
0x3d: {  	p1 =	sne.s32 s17, $0x100  }
.Ltmp8:
0x3e: {  	_ = 	snop;
	(pc) =	sbr.rel @!p1 .LBB2_19-.Ltmp8, $1  }
0x3f: {  	_ =	sdelay $0x3  }
.LBB2_7:
0x40: {  	s18 =	sshll.u32 s17, $0x4  }
0x41: {  	s18 =	sand.u32 $0x3FFFFFF0, s18  }
0x42: {  	v6 =	vld [tilespmem:s18+$0x18800];
	_ =	sdelay $0x4  }
0x43: {  	v7 =	vshrl.u32 v6, $0x10;
	_ =	sdelay $0x1  }
0x44: {  	v8 =	vand.u32 $0xFFFF, v6;
	_ =	sdelay $0x2  }
0x45: {  	v11 =	vld.idx.msk [tilespmem:v7+s1+$0x0], $0xffff;
	_ =	sdelay $0x1  }
0x46: {  	v9 =	vld.idx.msk [tilespmem:v8+s1+$0x0], $0xffff;
	_ =	sdelay $0x2  }
0x47: {  	vm0 =	vgt.s32 v11, $0xFFFFFFFF  }
0x48: {  	v10 =	vsel vm0, $0x3F800000, v3  }
0x49: {  	vm1 =	vgt.s32 v9, $0xFFFFFFFF;
	(xrf0) =	vmax.scan.msk.f32 $0xffff, v10  }
0x4a: {  	v10 =	vsel vm1, $0x3F800000, v3  }
0x4b: {  	(xrf0) =	vmax.scan.msk.f32 $0xffff, v10;
	_ =	sdelay $0x3  }
0x4c: {  	v10, _, _ =	vpop (xrf0)  }
0x4d: {  	(v2sf) =	vpush v10, $0xF  }
0x4e: {  	v10, _, _ =	vpop (xrf0)  }
0x4f: {  	(v2sf) =	vpush v10, $0xF;
	_ =	sdelay $0xc  }
0x50: {  	s31 =	spop (v2sf)  }
0x51: {  	p1 =	sgt.f32 s31, $0.0e+00  }
0x52: {  	s18 =	spop (v2sf)  }
0x53: {  	p2 =	sgt.f32 @!p1 s18, $0.0e+00;
	_ =	sdelay $0x1  }
0x54: {  	p2 =	por p1, p2  }
.Ltmp9:
0x55: {  	_ = 	snop;
	(pc) =	sbr.rel @!p2 .LBB2_10-.Ltmp9, $1  }
0x56: {  	_ =	sdelay $0x3  }
0x57: {  	vm1 =	vmmov @p1 vm1;
	vm0 =	vmmov @p1 vm0;
	v10 =	vpsel p1, v9, v9  }
0x58: {  	v9 =	vpsel p1, v8, v8;
	v12 =	vpsel p1, v11, v11;
	v11 =	vpsel p1, v7, v7  }
.LBB2_9:
0x59: {  	v7 =	vsel vm0, v12, v11;
	_ =	sdelay $0x1  }
0x5a: {  	v8 =	vsel vm1, v10, v9;
	_ =	sdelay $0x2  }
0x5b: {  	v13 =	vld.idx.msk [tilespmem:v7+s1+$0x0], $0xffff;
	_ =	sdelay $0x1  }
0x5c: {  	v14 =	vld.idx.msk [tilespmem:v8+s1+$0x0], $0xffff;
	_ =	sdelay $0x2  }
0x5d: {  	v15 =	vsel vm0, v13, v12  }
0x5e: {  	vm0 =	vgt.s32 v15, $0xFFFFFFFF  }
0x5f: {  	v16 =	vsel vm1, v14, v10;
	v17 =	vsel vm0, $0x3F800000, v3  }
0x60: {  	vm1 =	vgt.s32 v16, $0xFFFFFFFF;
	(xrf0) =	vmax.scan.msk.f32 $0xffff, v17  }
0x61: {  	v61 =	vsel vm1, $0x3F800000, v3  }
0x62: {  	(xrf0) =	vmax.scan.msk.f32 $0xffff, v61;
	_ =	sdelay $0x3  }
0x63: {  	v62, _, _ =	vpop (xrf0)  }
0x64: {  	(v2sf) =	vpush v62, $0xF  }
0x65: {  	v63, _, _ =	vpop (xrf0)  }
0x66: {  	(v2sf) =	vpush v63, $0xF;
	_ =	sdelay $0xc  }
0x67: {  	s18 =	spop (v2sf)  }
0x68: {  	v12 =	vor.u32 v12, v13;
	p1 =	sgt.f32 s18, $0.0e+00  }
0x69: {  	v10 =	vor.u32 v10, v14;
	vm2 =	vgt.s32 v12, $0xFFFFFFFF;
	s18 =	spop (v2sf)  }
0x6a: {  	vm3 =	vgt.s32 v10, $0xFFFFFFFF;
	p2 =	sgt.f32 @!p1 s18, $0.0e+00;
	_ =	sdelay $0x1  }
0x6b: {  	p2 =	por p1, p2  }
.Ltmp10:
0x6c: {  	_ = 	snop;
	(pc) =	sbr.rel @p2 .LBB2_9-.Ltmp10, $4  }
0x6d: {  	_ = 	snop  }
0x6e: {  	[tilespmem:v11+s1+$0x0] =	vst.idx.msk vm2, v13  }
0x6f: {  	[tilespmem:v9+s1+$0x0] =	vst.idx.msk vm3, v14;
	vm1 =	vmmov @p1 vm1;
	vm0 =	vmmov @p1 vm0;
	v10 =	vpsel p1, v16, v16  }
0x70: {  	v9 =	vpsel p1, v8, v8;
	v12 =	vpsel p1, v15, v15;
	v11 =	vpsel p1, v7, v7  }
.LBB2_10:
0x71: {  	vm0 =	vne.s32 v7, v8  }
0x72: {  	v9 =	vand.u32 $0xFFF, v7  }
0x73: {  	v10 =	vand.u32 $0xFFF, v8;
	_ =	sdelay $0x3  }
0x74: {  	[tilespmem:v9+s9+$0x0] =	vst.idx.msk vm0, v2  }
0x75: {  	[tilespmem:v10+s9+$0x0] =	vst.idx.msk vm0, v4  }
0x76: {  	v9 =	vld.idx.msk [tilespmem:v9+s9+$0x0], $0xffff  }
0x77: {  	v10 =	vld.idx.msk [tilespmem:v10+s9+$0x0], $0xffff;
	_ =	sdelay $0x4  }
0x78: {  	vm1 =	vne.s32 v9, v2;
	vm2 =	vne.s32 v10, v4  }
0x79: {  	vm1 =	vmor vm1, vm2  }
0x7a: {  	v9 =	vsel vm0, $0x1, v1;
	vm1 =	vmand vm0, vm1  }
0x7b: {  	(xrf0) =	vadd.scan.msk.s32 $0xffff, v9;
	v9 =	vsel vm1, $0x0, v5  }
0x7c: {  	(xrf0) =	vmin.scan.msk.f32 $0xffff, v9;
	_ =	sdelay $0x4  }
0x7d: {  	v9, _, _ =	vpop (xrf0)  }
0x7e: {  	(v2sf) =	vpush v9, $0xF;
	v10, _, _ =	vpop (xrf0)  }
0x7f: {  	(v2sf) =	vpush v10, $0xF;
	_ =	sdelay $0xd  }
0x80: {  	s18 =	spop (v2sf)  }
0x81: {  	s19 =	spop (v2sf)  }
0x82: {  	p1 =	sgt.f32 s19, $0.0e+00  }
.Ltmp11:
0x83: {  	_ = 	snop;
	(pc) =	sbr.rel @p1 .LBB2_11-.Ltmp11, $2  }
0x84: {  	_ =	sdelay $0x2  }
0x85: {  	v9 =	vadd.s32 $0xFFFFFFFF, v9  }
0x86: {  	_ =	sdelay $0x1  }
0x87: {  	p1 =	slt.s32 s18, $0x1  }
.Ltmp12:
0x88: {  	_ = 	snop;
	(pc) =	sbr.rel @!p1 .LBB2_13-.Ltmp12, $4  }
.Ltmp13:
0x89: {  	_ = 	snop;
	(pc) =	sbr.rel @p1 .LBB2_18-.Ltmp13, $4  }
0x8a: {  	[tilespmem:v9+s11+$0x0] =	vst.idx.msk vm0, v7  }
0x8b: {  	[tilespmem:v9+s12+$0x0] =	vst.idx.msk vm0, v8  }
0x8c: {  	s19 =	simm.s32 $0x0;
	[tilespmem:v9+s13+$0x0] =	vst.idx.msk vm0, v6  }
0x8d: {  	_ = 	snop  }
.LBB2_17:
0x8e: {  	p1 =	seq.s32 s20, s22  }
0x8f: {  	p2 =	sgt.u32 @!p1 s21, s23  }
0x90: {  	s24 =	smov.u32 s22;
	p2 =	por !p2, p1  }
0x91: {  	s25 =	smov.u32 s20;
	s24 =	smov.u32 @p2 s20  }
0x92: {  	s25 =	smov.u32 @p2 s22;
	v7 =	vmov @!p1 s24  }
0x93: {  	v8 =	vmov @!p1 s25;
	_ =	sdelay $0x1  }
0x94: {  	s21 =	sadd.s32 @!p1 s21, s23  }
0x95: {  	v9 =	vmov @!p1 s21;
	s21 =	simm.s32 @!p1 $0x0  }
0x96: {  	[tilespmem:v7+s21+$0x0] =	vst.idx.msk @!p1 $0x1, v9  }
0x97: {  	[tilespmem:v8+s21+$0x0] =	vst.idx.msk @!p1 $0x1, v7;
	s21 =	simm.s32 @!p1 $0x19900  }
0x98: {  	v6 =	vld.idx.msk @!p1 [tilespmem:v6+s21+$0x0], $0xffff  }
0x99: {  	s19 =	sadd.s32 $0x1, s19;
	p2 =	sne.s32 s20, s22;
	s20 =	simm.s32 $0x1  }
0x9a: {  	s20 =	simm.s32 @!p2 $0x0;
	p2 =	sne.s32 s19, s18;
	v7 =	vmov @!p1 s15  }
.Ltmp14:
0x9b: {  	_ = 	snop;
	(pc) =	sbr.rel @!p2 .LBB2_18-.Ltmp14, $4  }
0x9c: {  	_ = 	snop  }
0x9d: {  	v6 =	vbroadcast @!p1 v6, $0x0  }
0x9e: {  	s21 =	simm.s32 @!p1 $0xC400  }
0x9f: {  	s15 =	sadd.s32 s20, s15;
	[tilespmem:v7+s21+$0x0] =	vst.idx.msk @!p1 $0x1, v6  }
.LBB2_13:
0xa0: {  	v6 =	vmov s19;
	_ =	sdelay $0x4  }
0xa1: {  	v7 =	vld.idx.msk [tilespmem:v6+s11+$0x0], $0xffff;
	_ =	sdelay $0x4  }
0xa2: {  	v8 =	vbroadcast v7, $0x0;
	_ =	sdelay $0x5  }
0xa3: {  	v8 =	vld.idx.msk [tilespmem:v8+s1+$0x0], $0xffff;
	_ =	sdelay $0x3  }
0xa4: {  	(v2sf) =	vpush v7, $0x0  }
0xa5: {  	(v2sf) =	vpush v8, $0x0;
	_ =	sdelay $0xd  }
0xa6: {  	s20 =	spop (v2sf)  }
0xa7: {  	s21 =	spop (v2sf)  }
0xa8: {  	p1 =	slt.s32 s21, $0x0  }
.Ltmp15:
0xa9: {  	_ = 	snop;
	(pc) =	sbr.rel @p1 .LBB2_15-.Ltmp15, $1  }
0xaa: {  	_ =	sdelay $0x3  }
.LBB2_14:
0xab: {  	v7 =	vmov s21  }
0xac: {  	v7 =	vand.u32 $0x7FFFFFFF, v7  }
0xad: {  	v7 =	vbroadcast v7, $0x0;
	_ =	sdelay $0x5  }
0xae: {  	v7 =	vld.idx.msk [tilespmem:v7+s1+$0x0], $0xffff;
	_ =	sdelay $0x4  }
0xaf: {  	(v2sf) =	vpush v7, $0x0;
	_ =	sdelay $0xe  }
0xb0: {  	s20 =	smov.u32 s21;
	s21 =	spop (v2sf)  }
0xb1: {  	p1 =	sgt.s32 s21, $0xFFFFFFFF  }
.Ltmp16:
0xb2: {  	_ = 	snop;
	(pc) =	sbr.rel @p1 .LBB2_14-.Ltmp16, $1  }
0xb3: {  	_ =	sdelay $0x3  }
.LBB2_15:
0xb4: {  	_ =	sdelay $0x3  }
0xb5: {  	v7 =	vld.idx.msk [tilespmem:v6+s12+$0x0], $0xffff;
	_ =	sdelay $0x4  }
0xb6: {  	v8 =	vbroadcast v7, $0x0;
	_ =	sdelay $0x5  }
0xb7: {  	v8 =	vld.idx.msk [tilespmem:v8+s1+$0x0], $0xffff;
	_ =	sdelay $0x3  }
0xb8: {  	(v2sf) =	vpush v7, $0x0  }
0xb9: {  	(v2sf) =	vpush v8, $0x0;
	_ =	sdelay $0xd  }
0xba: {  	s22 =	spop (v2sf)  }
0xbb: {  	s23 =	spop (v2sf)  }
0xbc: {  	p1 =	slt.s32 s23, $0x0  }
.Ltmp17:
0xbd: {  	_ = 	snop;
	(pc) =	sbr.rel @p1 .LBB2_17-.Ltmp17, $1  }
0xbe: {  	_ =	sdelay $0x3  }
.LBB2_16:
0xbf: {  	v7 =	vmov s23  }
0xc0: {  	v7 =	vand.u32 $0x7FFFFFFF, v7  }
0xc1: {  	v7 =	vbroadcast v7, $0x0;
	_ =	sdelay $0x5  }
0xc2: {  	v7 =	vld.idx.msk [tilespmem:v7+s1+$0x0], $0xffff;
	_ =	sdelay $0x4  }
0xc3: {  	(v2sf) =	vpush v7, $0x0;
	_ =	sdelay $0xe  }
0xc4: {  	s22 =	smov.u32 s23;
	s23 =	spop (v2sf)  }
0xc5: {  	p1 =	sgt.s32 s23, $0xFFFFFFFF  }
.Ltmp18:
0xc6: {  	_ = 	snop;
	(pc) =	sbr.rel @p1 .LBB2_16-.Ltmp18, $1  }
0xc7: {  	_ =	sdelay $0x3  }
.Ltmp19:
0xc8: {  	_ = 	snop;
	(pc) =	sbr.rel .LBB2_17-.Ltmp19, $1  }
0xc9: {  	_ =	sdelay $0x3  }
.Lfunc_end2:
_tile_overlayer_lowered:
.L_overlay_start_2:
0xca: {  	(tag) =	ssettag $0x2  }
0xcb: {  	s0 =	rddreg [dreg:$0x0];
	s2 =	stileid.u32  }
0xcc: {  	s1 =	rddreg [dreg:$0x1];
	p0 =	sne.s32 s2, $0x0  }
0xcd: {  	s3 =	rddreg [dreg:$0x2];
	[bflag:$0x3] =	sbarrier.arrive $0xFFFF;
	s2 =	simm.s32 @!p0 $0x1C01  }
0xce: {  	[timem:s3], [sflag:s2] =	dma.local @!p0 [hbm:s0], s1  }
0xcf: {  	s0 =	simm.s32 @!p0 $0x1  }
0xd0: {  	_ =	swait.ge @!p0 [sflag:s0], s1  }
0xd1: {  	s1 =	ssub.s32 @!p0 $0x0, s1;
	[sflag:s0] =	ssyncset.done @!p0 $0x0  }
0xd2: {  	[sflag:s0] =	ssyncadd.s32 @!p0 s1  }
0xd3: {  	[bflag:$0x3] =	sbarrier.arrive $0xFFFF  }
0xd4: {  	_ =	shalt  }

</sc_bundles>
